<compile_context>
chip_gen: v7x
topology: tpu7x:2x2x1
jax: 0.10.2.dev20260603
libtpu: 0.0.44.dev20260713+nightly
codegen_flags: <defaults>
</compile_context>

<pallas_src>
import functools

import jax
import jax.numpy as jnp
from jax import lax
from jax.experimental import pallas as pl
from jax.experimental.pallas import tpu as pltpu
from jax.experimental.pallas import tpu_sc as plsc

_BATCH = 4
_SEQ = 8192
_D = 1024
_NC = 2
_NS = 16
_NW = _NC * _NS
_SEQ_PER_W = _SEQ // _NW
_C = 8
_NCHUNK = _SEQ_PER_W // _C


def _sc_add(x, pe):
    mesh = plsc.VectorSubcoreMesh(core_axis_name="c", subcore_axis_name="s")

    scratch = (
        [pltpu.VMEM((_BATCH, _C, _D), jnp.float32) for _ in range(2)]
        + [pltpu.VMEM((_C, _D), jnp.float32) for _ in range(2)]
        + [pltpu.SemaphoreType.DMA for _ in range(6)]
    )

    @functools.partial(
        pl.kernel,
        mesh=mesh,
        out_type=jax.ShapeDtypeStruct((_BATCH, _SEQ, _D), jnp.float32),
        scratch_types=scratch,
    )
    def k(x_hbm, pe_hbm, out_hbm, *bufs):
        x_v = bufs[:2]
        pe_v = bufs[2:4]
        sems = bufs[4:]
        in_sem = sems[:2]
        pe_sem = sems[2:4]
        out_sem = sems[4:6]

        wid = lax.axis_index("s") * _NC + lax.axis_index("c")
        seq0 = wid * _SEQ_PER_W

        def rows(c):
            return pl.ds(seq0 + c * _C, _C)

        def start_x(c, s):
            pltpu.async_copy(x_hbm.at[:, rows(c), :], x_v[s], in_sem[s])

        def wait_x(c, s):
            pltpu.make_async_copy(
                x_hbm.at[:, rows(c), :], x_v[s], in_sem[s]).wait()

        def start_pe(c, s):
            pltpu.async_copy(pe_hbm.at[rows(c), :], pe_v[s], pe_sem[s])

        def wait_pe(c, s):
            pltpu.make_async_copy(
                pe_hbm.at[rows(c), :], pe_v[s], pe_sem[s]).wait()

        def start_out(c, s):
            pltpu.async_copy(x_v[s], out_hbm.at[:, rows(c), :], out_sem[s])

        def wait_out(c, s):
            pltpu.make_async_copy(
                x_v[s], out_hbm.at[:, rows(c), :], out_sem[s]).wait()

        start_pe(0, 0)
        start_pe(1, 1)
        start_x(0, 0)
        start_x(1, 1)

        def iter_body(t, carry):
            c0 = 2 * t
            c1 = c0 + 1

            wait_pe(c0, 0)
            wait_x(c0, 0)
            start_out(c0, 0)

            @pl.when(c0 + 2 < _NCHUNK)
            def _():
                start_pe(c0 + 2, 0)

            wait_pe(c1, 1)
            wait_x(c1, 1)
            start_out(c1, 1)

            @pl.when(c1 + 2 < _NCHUNK)
            def _():
                start_pe(c1 + 2, 1)

            wait_out(c0, 0)

            @pl.when(c0 + 2 < _NCHUNK)
            def _():
                start_x(c0 + 2, 0)

            wait_out(c1, 1)

            @pl.when(c1 + 2 < _NCHUNK)
            def _():
                start_x(c1 + 2, 1)

            return carry

        lax.fori_loop(0, _NCHUNK // 2, iter_body, 0)

    return k(x, pe)


def kernel(x, pos_emb):
    return _sc_add(x, pos_emb)

# --- scband reference (transcript-rebuilt; emitter-appended) ---
"""Pipeline reference for scband-learned-positional-embedding-26491358282255 (READ-ONLY COPY).

The authoritative reference and input builder live on the scoring server;
editing this copy changes nothing except your own understanding.
"""

import jax, jax.numpy as jnp
import numpy as np

MAX_SEQ_LEN = 8192
D_MODEL = 1024
BATCH = 4
SEQ_LEN = 8192

def setup_inputs(seed: int = 0) -> dict:
    key = jax.random.key(seed)
    k1, k2 = jax.random.split(key)
    x = jax.random.normal(k1, (BATCH, SEQ_LEN, D_MODEL), dtype=jnp.float32)
    pos_emb = jax.random.normal(k2, (MAX_SEQ_LEN, D_MODEL), dtype=jnp.float32) * 0.02
    return {"x": x, "pos_emb": pos_emb}

def reference(x, pos_emb):
    batch, seq_len, _ = x.shape
    positions = jnp.arange(seq_len)[None, :]  # (1, seq_len)
    pe = jnp.take(pos_emb, positions, axis=0)  # (1, seq_len, d_model)
    return x + pe

if __name__ == "__main__":
    import jax
    _d = setup_inputs()
    print(jax.jit(kernel)(*tuple(_d.values())))

</pallas_src>

<mosaic_0001>
#map = affine_map<(d0, d1) -> (0, 0, 0)>
#map1 = affine_map<(d0, d1) -> (0, 0)>
module attributes {stable_mosaic.version = 14 : i64} {
  func.func @k(%arg0: i32, %arg1: i32, %arg2: memref<4x8192x1024xf32, #tpu.memory_space<hbm>>, %arg3: memref<8192x1024xf32, #tpu.memory_space<hbm>>, %arg4: memref<4x8192x1024xf32, #tpu.memory_space<hbm>>, %arg5: memref<4x8x1024xf32, #tpu.memory_space<vmem>>, %arg6: memref<4x8x1024xf32, #tpu.memory_space<vmem>>, %arg7: memref<8x1024xf32, #tpu.memory_space<vmem>>, %arg8: memref<8x1024xf32, #tpu.memory_space<vmem>>, %arg9: memref<!tpu.dma_semaphore, #tpu.memory_space<semaphore_mem>>, %arg10: memref<!tpu.dma_semaphore, #tpu.memory_space<semaphore_mem>>, %arg11: memref<!tpu.dma_semaphore, #tpu.memory_space<semaphore_mem>>, %arg12: memref<!tpu.dma_semaphore, #tpu.memory_space<semaphore_mem>>, %arg13: memref<!tpu.dma_semaphore, #tpu.memory_space<semaphore_mem>>, %arg14: memref<!tpu.dma_semaphore, #tpu.memory_space<semaphore_mem>>) attributes {dimension_semantics = [#tpu.dimension_semantics<core_parallel>, #tpu.dimension_semantics<subcore_parallel>], iteration_bounds = array<i64: 2, 16>, scalar_prefetch = 0 : i64, scratch_operands = 10 : i64, tpu.core_type = #tpu.core_type<sc_vector_subcore>, window_params = [{transform_indices = #map}, {transform_indices = #map1}, {transform_indices = #map}]} {
    %mul3A = arith.constant 2 : i32
    %mul3A_0 = arith.muli %arg1, %mul3A : i32
    %add3A = arith.addi %mul3A_0, %arg0 : i32
    %mul3A_1 = arith.constant 256 : i32
    %mul3A_2 = arith.muli %add3A, %mul3A_1 : i32
    %add3A_3 = arith.constant 0 : i32
    %add3A_4 = arith.addi %mul3A_2, %add3A_3 : i32
    %dma_start3A = arith.constant 0 : i32
    %dma_start3A_5 = tpu.memref_slice %arg3[%add3A_4, %dma_start3A] : memref<8192x1024xf32, #tpu.memory_space<hbm>> -> memref<8x1024xf32, #tpu.memory_space<hbm>>
    %dma_start3A_6 = arith.constant 0 : i32
    %dma_start3A_7 = tpu.memref_slice %arg3[%add3A_4, %dma_start3A_6] : memref<8192x1024xf32, #tpu.memory_space<hbm>> -> memref<8x1024xf32, #tpu.memory_space<hbm>>
    tpu.enqueue_dma source(%dma_start3A_7 : memref<8x1024xf32, #tpu.memory_space<hbm>>) target(%arg7 : memref<8x1024xf32, #tpu.memory_space<vmem>>) target_semaphore(%arg11 : memref<!tpu.dma_semaphore, #tpu.memory_space<semaphore_mem>>)
    %add3A_8 = arith.constant 8 : i32
    %add3A_9 = arith.addi %mul3A_2, %add3A_8 : i32
    %dma_start3A_10 = arith.constant 0 : i32
    %dma_start3A_11 = tpu.memref_slice %arg3[%add3A_9, %dma_start3A_10] : memref<8192x1024xf32, #tpu.memory_space<hbm>> -> memref<8x1024xf32, #tpu.memory_space<hbm>>
    %dma_start3A_12 = arith.constant 0 : i32
    %dma_start3A_13 = tpu.memref_slice %arg3[%add3A_9, %dma_start3A_12] : memref<8192x1024xf32, #tpu.memory_space<hbm>> -> memref<8x1024xf32, #tpu.memory_space<hbm>>
    tpu.enqueue_dma source(%dma_start3A_13 : memref<8x1024xf32, #tpu.memory_space<hbm>>) target(%arg8 : memref<8x1024xf32, #tpu.memory_space<vmem>>) target_semaphore(%arg12 : memref<!tpu.dma_semaphore, #tpu.memory_space<semaphore_mem>>)
    %add3A_14 = arith.constant 0 : i32
    %add3A_15 = arith.addi %mul3A_2, %add3A_14 : i32
    %dma_start3A_16 = arith.constant 0 : i32
    %dma_start3A_17 = arith.constant 0 : i32
    %dma_start3A_18 = tpu.memref_slice %arg2[%dma_start3A_16, %add3A_15, %dma_start3A_17] : memref<4x8192x1024xf32, #tpu.memory_space<hbm>> -> memref<4x8x1024xf32, #tpu.memory_space<hbm>>
    %dma_start3A_19 = arith.constant 0 : i32
    %dma_start3A_20 = arith.constant 0 : i32
    %dma_start3A_21 = tpu.memref_slice %arg2[%dma_start3A_19, %add3A_15, %dma_start3A_20] : memref<4x8192x1024xf32, #tpu.memory_space<hbm>> -> memref<4x8x1024xf32, #tpu.memory_space<hbm>>
    tpu.enqueue_dma source(%dma_start3A_21 : memref<4x8x1024xf32, #tpu.memory_space<hbm>>) target(%arg5 : memref<4x8x1024xf32, #tpu.memory_space<vmem>>) target_semaphore(%arg9 : memref<!tpu.dma_semaphore, #tpu.memory_space<semaphore_mem>>)
    %add3A_22 = arith.constant 8 : i32
    %add3A_23 = arith.addi %mul3A_2, %add3A_22 : i32
    %dma_start3A_24 = arith.constant 0 : i32
    %dma_start3A_25 = arith.constant 0 : i32
    %dma_start3A_26 = tpu.memref_slice %arg2[%dma_start3A_24, %add3A_23, %dma_start3A_25] : memref<4x8192x1024xf32, #tpu.memory_space<hbm>> -> memref<4x8x1024xf32, #tpu.memory_space<hbm>>
    %dma_start3A_27 = arith.constant 0 : i32
    %dma_start3A_28 = arith.constant 0 : i32
    %dma_start3A_29 = tpu.memref_slice %arg2[%dma_start3A_27, %add3A_23, %dma_start3A_28] : memref<4x8192x1024xf32, #tpu.memory_space<hbm>> -> memref<4x8x1024xf32, #tpu.memory_space<hbm>>
    tpu.enqueue_dma source(%dma_start3A_29 : memref<4x8x1024xf32, #tpu.memory_space<hbm>>) target(%arg6 : memref<4x8x1024xf32, #tpu.memory_space<vmem>>) target_semaphore(%arg10 : memref<!tpu.dma_semaphore, #tpu.memory_space<semaphore_mem>>)
    %scan3A = arith.constant 0 : i32
    %scan3A_30 = arith.constant 0 : i32
    %scan3A_31 = arith.constant 16 : i32
    %scan3A_32 = arith.addi %scan3A_30, %scan3A_31 : i32
    %scan3A_33 = arith.constant 1 : i32
    scf.for %scan3A_35 = %scan3A_30 to %scan3A_32 step %scan3A_33  : i32 {
      %mul3A_36 = arith.constant 2 : i32
      %mul3A_37 = arith.muli %mul3A_36, %scan3A_35 : i32
      %add3A_38 = arith.constant 1 : i32
      %add3A_39 = arith.addi %mul3A_37, %add3A_38 : i32
      %mul3A_40 = arith.constant 8 : i32
      %mul3A_41 = arith.muli %mul3A_37, %mul3A_40 : i32
      %add3A_42 = arith.addi %mul3A_2, %mul3A_41 : i32
      %dma_wait3A = arith.constant 0 : i32
      %dma_wait3A_43 = tpu.memref_slice %arg3[%add3A_42, %dma_wait3A] : memref<8192x1024xf32, #tpu.memory_space<hbm>> -> memref<8x1024xf32, #tpu.memory_space<hbm>>
      %dma_wait3A_44 = arith.constant 0 : i32
      %dma_wait3A_45 = tpu.memref_slice %arg3[%add3A_42, %dma_wait3A_44] : memref<8192x1024xf32, #tpu.memory_space<hbm>> -> memref<8x1024xf32, #tpu.memory_space<hbm>>
      tpu.wait_dma2 semaphore(%arg11 : memref<!tpu.dma_semaphore, #tpu.memory_space<semaphore_mem>>) src(%dma_wait3A_45 : memref<8x1024xf32, #tpu.memory_space<hbm>>) dst(%arg7 : memref<8x1024xf32, #tpu.memory_space<vmem>>)
      %mul3A_46 = arith.constant 8 : i32
      %mul3A_47 = arith.muli %mul3A_37, %mul3A_46 : i32
      %add3A_48 = arith.addi %mul3A_2, %mul3A_47 : i32
      %dma_wait3A_49 = arith.constant 0 : i32
      %dma_wait3A_50 = arith.constant 0 : i32
      %dma_wait3A_51 = tpu.memref_slice %arg2[%dma_wait3A_49, %add3A_48, %dma_wait3A_50] : memref<4x8192x1024xf32, #tpu.memory_space<hbm>> -> memref<4x8x1024xf32, #tpu.memory_space<hbm>>
      %dma_wait3A_52 = arith.constant 0 : i32
      %dma_wait3A_53 = arith.constant 0 : i32
      %dma_wait3A_54 = tpu.memref_slice %arg2[%dma_wait3A_52, %add3A_48, %dma_wait3A_53] : memref<4x8192x1024xf32, #tpu.memory_space<hbm>> -> memref<4x8x1024xf32, #tpu.memory_space<hbm>>
      tpu.wait_dma2 semaphore(%arg9 : memref<!tpu.dma_semaphore, #tpu.memory_space<semaphore_mem>>) src(%dma_wait3A_54 : memref<4x8x1024xf32, #tpu.memory_space<hbm>>) dst(%arg5 : memref<4x8x1024xf32, #tpu.memory_space<vmem>>)
      %mul3A_55 = arith.constant 8 : i32
      %mul3A_56 = arith.muli %mul3A_37, %mul3A_55 : i32
      %add3A_57 = arith.addi %mul3A_2, %mul3A_56 : i32
      %dma_start3A_58 = arith.constant 0 : i32
      %dma_start3A_59 = arith.constant 0 : i32
      %dma_start3A_60 = tpu.memref_slice %arg4[%dma_start3A_58, %add3A_57, %dma_start3A_59] : memref<4x8192x1024xf32, #tpu.memory_space<hbm>> -> memref<4x8x1024xf32, #tpu.memory_space<hbm>>
      %dma_start3A_61 = arith.constant 0 : i32
      %dma_start3A_62 = arith.constant 0 : i32
      %dma_start3A_63 = tpu.memref_slice %arg4[%dma_start3A_61, %add3A_57, %dma_start3A_62] : memref<4x8192x1024xf32, #tpu.memory_space<hbm>> -> memref<4x8x1024xf32, #tpu.memory_space<hbm>>
      tpu.enqueue_dma source(%arg5 : memref<4x8x1024xf32, #tpu.memory_space<vmem>>) target(%dma_start3A_63 : memref<4x8x1024xf32, #tpu.memory_space<hbm>>) target_semaphore(%arg13 : memref<!tpu.dma_semaphore, #tpu.memory_space<semaphore_mem>>)
      %add3A_64 = arith.constant 2 : i32
      %add3A_65 = arith.addi %mul3A_37, %add3A_64 : i32
      %lt3A = arith.constant 32 : i32
      %lt3A_66 = arith.cmpi slt, %add3A_65, %lt3A : i32
      %convert_element_type3A = arith.extui %lt3A_66 : i1 to i32
      %cond3A = arith.constant 0 : i32
      %cond3A_67 = arith.cmpi ne, %convert_element_type3A, %cond3A : i32
      scf.if %cond3A_67 {
        %add3A_132 = arith.constant 2 : i32
        %add3A_133 = arith.addi %mul3A_37, %add3A_132 : i32
        %mul3A_134 = arith.constant 8 : i32
        %mul3A_135 = arith.muli %add3A_133, %mul3A_134 : i32
        %add3A_136 = arith.addi %mul3A_2, %mul3A_135 : i32
        %dma_start3A_137 = arith.constant 0 : i32
        %dma_start3A_138 = tpu.memref_slice %arg3[%add3A_136, %dma_start3A_137] : memref<8192x1024xf32, #tpu.memory_space<hbm>> -> memref<8x1024xf32, #tpu.memory_space<hbm>>
        %dma_start3A_139 = arith.constant 0 : i32
        %dma_start3A_140 = tpu.memref_slice %arg3[%add3A_136, %dma_start3A_139] : memref<8192x1024xf32, #tpu.memory_space<hbm>> -> memref<8x1024xf32, #tpu.memory_space<hbm>>
        tpu.enqueue_dma source(%dma_start3A_140 : memref<8x1024xf32, #tpu.memory_space<hbm>>) target(%arg7 : memref<8x1024xf32, #tpu.memory_space<vmem>>) target_semaphore(%arg11 : memref<!tpu.dma_semaphore, #tpu.memory_space<semaphore_mem>>)
      } else {
      }
      %mul3A_68 = arith.constant 8 : i32
      %mul3A_69 = arith.muli %add3A_39, %mul3A_68 : i32
      %add3A_70 = arith.addi %mul3A_2, %mul3A_69 : i32
      %dma_wait3A_71 = arith.constant 0 : i32
      %dma_wait3A_72 = tpu.memref_slice %arg3[%add3A_70, %dma_wait3A_71] : memref<8192x1024xf32, #tpu.memory_space<hbm>> -> memref<8x1024xf32, #tpu.memory_space<hbm>>
      %dma_wait3A_73 = arith.constant 0 : i32
      %dma_wait3A_74 = tpu.memref_slice %arg3[%add3A_70, %dma_wait3A_73] : memref<8192x1024xf32, #tpu.memory_space<hbm>> -> memref<8x1024xf32, #tpu.memory_space<hbm>>
      tpu.wait_dma2 semaphore(%arg12 : memref<!tpu.dma_semaphore, #tpu.memory_space<semaphore_mem>>) src(%dma_wait3A_74 : memref<8x1024xf32, #tpu.memory_space<hbm>>) dst(%arg8 : memref<8x1024xf32, #tpu.memory_space<vmem>>)
      %mul3A_75 = arith.constant 8 : i32
      %mul3A_76 = arith.muli %add3A_39, %mul3A_75 : i32
      %add3A_77 = arith.addi %mul3A_2, %mul3A_76 : i32
      %dma_wait3A_78 = arith.constant 0 : i32
      %dma_wait3A_79 = arith.constant 0 : i32
      %dma_wait3A_80 = tpu.memref_slice %arg2[%dma_wait3A_78, %add3A_77, %dma_wait3A_79] : memref<4x8192x1024xf32, #tpu.memory_space<hbm>> -> memref<4x8x1024xf32, #tpu.memory_space<hbm>>
      %dma_wait3A_81 = arith.constant 0 : i32
      %dma_wait3A_82 = arith.constant 0 : i32
      %dma_wait3A_83 = tpu.memref_slice %arg2[%dma_wait3A_81, %add3A_77, %dma_wait3A_82] : memref<4x8192x1024xf32, #tpu.memory_space<hbm>> -> memref<4x8x1024xf32, #tpu.memory_space<hbm>>
      tpu.wait_dma2 semaphore(%arg10 : memref<!tpu.dma_semaphore, #tpu.memory_space<semaphore_mem>>) src(%dma_wait3A_83 : memref<4x8x1024xf32, #tpu.memory_space<hbm>>) dst(%arg6 : memref<4x8x1024xf32, #tpu.memory_space<vmem>>)
      %mul3A_84 = arith.constant 8 : i32
      %mul3A_85 = arith.muli %add3A_39, %mul3A_84 : i32
      %add3A_86 = arith.addi %mul3A_2, %mul3A_85 : i32
      %dma_start3A_87 = arith.constant 0 : i32
      %dma_start3A_88 = arith.constant 0 : i32
      %dma_start3A_89 = tpu.memref_slice %arg4[%dma_start3A_87, %add3A_86, %dma_start3A_88] : memref<4x8192x1024xf32, #tpu.memory_space<hbm>> -> memref<4x8x1024xf32, #tpu.memory_space<hbm>>
      %dma_start3A_90 = arith.constant 0 : i32
      %dma_start3A_91 = arith.constant 0 : i32
      %dma_start3A_92 = tpu.memref_slice %arg4[%dma_start3A_90, %add3A_86, %dma_start3A_91] : memref<4x8192x1024xf32, #tpu.memory_space<hbm>> -> memref<4x8x1024xf32, #tpu.memory_space<hbm>>
      tpu.enqueue_dma source(%arg6 : memref<4x8x1024xf32, #tpu.memory_space<vmem>>) target(%dma_start3A_92 : memref<4x8x1024xf32, #tpu.memory_space<hbm>>) target_semaphore(%arg14 : memref<!tpu.dma_semaphore, #tpu.memory_space<semaphore_mem>>)
      %add3A_93 = arith.constant 2 : i32
      %add3A_94 = arith.addi %add3A_39, %add3A_93 : i32
      %lt3A_95 = arith.constant 32 : i32
      %lt3A_96 = arith.cmpi slt, %add3A_94, %lt3A_95 : i32
      %convert_element_type3A_97 = arith.extui %lt3A_96 : i1 to i32
      %cond3A_98 = arith.constant 0 : i32
      %cond3A_99 = arith.cmpi ne, %convert_element_type3A_97, %cond3A_98 : i32
      scf.if %cond3A_99 {
        %add3A_132 = arith.constant 2 : i32
        %add3A_133 = arith.addi %add3A_39, %add3A_132 : i32
        %mul3A_134 = arith.constant 8 : i32
        %mul3A_135 = arith.muli %add3A_133, %mul3A_134 : i32
        %add3A_136 = arith.addi %mul3A_2, %mul3A_135 : i32
        %dma_start3A_137 = arith.constant 0 : i32
        %dma_start3A_138 = tpu.memref_slice %arg3[%add3A_136, %dma_start3A_137] : memref<8192x1024xf32, #tpu.memory_space<hbm>> -> memref<8x1024xf32, #tpu.memory_space<hbm>>
        %dma_start3A_139 = arith.constant 0 : i32
        %dma_start3A_140 = tpu.memref_slice %arg3[%add3A_136, %dma_start3A_139] : memref<8192x1024xf32, #tpu.memory_space<hbm>> -> memref<8x1024xf32, #tpu.memory_space<hbm>>
        tpu.enqueue_dma source(%dma_start3A_140 : memref<8x1024xf32, #tpu.memory_space<hbm>>) target(%arg8 : memref<8x1024xf32, #tpu.memory_space<vmem>>) target_semaphore(%arg12 : memref<!tpu.dma_semaphore, #tpu.memory_space<semaphore_mem>>)
      } else {
      }
      %mul3A_100 = arith.constant 8 : i32
      %mul3A_101 = arith.muli %mul3A_37, %mul3A_100 : i32
      %add3A_102 = arith.addi %mul3A_2, %mul3A_101 : i32
      %dma_wait3A_103 = arith.constant 0 : i32
      %dma_wait3A_104 = arith.constant 0 : i32
      %dma_wait3A_105 = tpu.memref_slice %arg4[%dma_wait3A_103, %add3A_102, %dma_wait3A_104] : memref<4x8192x1024xf32, #tpu.memory_space<hbm>> -> memref<4x8x1024xf32, #tpu.memory_space<hbm>>
      %dma_wait3A_106 = arith.constant 0 : i32
      %dma_wait3A_107 = arith.constant 0 : i32
      %dma_wait3A_108 = tpu.memref_slice %arg4[%dma_wait3A_106, %add3A_102, %dma_wait3A_107] : memref<4x8192x1024xf32, #tpu.memory_space<hbm>> -> memref<4x8x1024xf32, #tpu.memory_space<hbm>>
      tpu.wait_dma2 semaphore(%arg13 : memref<!tpu.dma_semaphore, #tpu.memory_space<semaphore_mem>>) src(%arg5 : memref<4x8x1024xf32, #tpu.memory_space<vmem>>) dst(%dma_wait3A_108 : memref<4x8x1024xf32, #tpu.memory_space<hbm>>)
      %add3A_109 = arith.constant 2 : i32
      %add3A_110 = arith.addi %mul3A_37, %add3A_109 : i32
      %lt3A_111 = arith.constant 32 : i32
      %lt3A_112 = arith.cmpi slt, %add3A_110, %lt3A_111 : i32
      %convert_element_type3A_113 = arith.extui %lt3A_112 : i1 to i32
      %cond3A_114 = arith.constant 0 : i32
      %cond3A_115 = arith.cmpi ne, %convert_element_type3A_113, %cond3A_114 : i32
      scf.if %cond3A_115 {
        %add3A_132 = arith.constant 2 : i32
        %add3A_133 = arith.addi %mul3A_37, %add3A_132 : i32
        %mul3A_134 = arith.constant 8 : i32
        %mul3A_135 = arith.muli %add3A_133, %mul3A_134 : i32
        %add3A_136 = arith.addi %mul3A_2, %mul3A_135 : i32
        %dma_start3A_137 = arith.constant 0 : i32
        %dma_start3A_138 = arith.constant 0 : i32
        %dma_start3A_139 = tpu.memref_slice %arg2[%dma_start3A_137, %add3A_136, %dma_start3A_138] : memref<4x8192x1024xf32, #tpu.memory_space<hbm>> -> memref<4x8x1024xf32, #tpu.memory_space<hbm>>
        %dma_start3A_140 = arith.constant 0 : i32
        %dma_start3A_141 = arith.constant 0 : i32
        %dma_start3A_142 = tpu.memref_slice %arg2[%dma_start3A_140, %add3A_136, %dma_start3A_141] : memref<4x8192x1024xf32, #tpu.memory_space<hbm>> -> memref<4x8x1024xf32, #tpu.memory_space<hbm>>
        tpu.enqueue_dma source(%dma_start3A_142 : memref<4x8x1024xf32, #tpu.memory_space<hbm>>) target(%arg5 : memref<4x8x1024xf32, #tpu.memory_space<vmem>>) target_semaphore(%arg9 : memref<!tpu.dma_semaphore, #tpu.memory_space<semaphore_mem>>)
      } else {
      }
      %mul3A_116 = arith.constant 8 : i32
      %mul3A_117 = arith.muli %add3A_39, %mul3A_116 : i32
      %add3A_118 = arith.addi %mul3A_2, %mul3A_117 : i32
      %dma_wait3A_119 = arith.constant 0 : i32
      %dma_wait3A_120 = arith.constant 0 : i32
      %dma_wait3A_121 = tpu.memref_slice %arg4[%dma_wait3A_119, %add3A_118, %dma_wait3A_120] : memref<4x8192x1024xf32, #tpu.memory_space<hbm>> -> memref<4x8x1024xf32, #tpu.memory_space<hbm>>
      %dma_wait3A_122 = arith.constant 0 : i32
      %dma_wait3A_123 = arith.constant 0 : i32
      %dma_wait3A_124 = tpu.memref_slice %arg4[%dma_wait3A_122, %add3A_118, %dma_wait3A_123] : memref<4x8192x1024xf32, #tpu.memory_space<hbm>> -> memref<4x8x1024xf32, #tpu.memory_space<hbm>>
      tpu.wait_dma2 semaphore(%arg14 : memref<!tpu.dma_semaphore, #tpu.memory_space<semaphore_mem>>) src(%arg6 : memref<4x8x1024xf32, #tpu.memory_space<vmem>>) dst(%dma_wait3A_124 : memref<4x8x1024xf32, #tpu.memory_space<hbm>>)
      %add3A_125 = arith.constant 2 : i32
      %add3A_126 = arith.addi %add3A_39, %add3A_125 : i32
      %lt3A_127 = arith.constant 32 : i32
      %lt3A_128 = arith.cmpi slt, %add3A_126, %lt3A_127 : i32
      %convert_element_type3A_129 = arith.extui %lt3A_128 : i1 to i32
      %cond3A_130 = arith.constant 0 : i32
      %cond3A_131 = arith.cmpi ne, %convert_element_type3A_129, %cond3A_130 : i32
      scf.if %cond3A_131 {
        %add3A_132 = arith.constant 2 : i32
        %add3A_133 = arith.addi %add3A_39, %add3A_132 : i32
        %mul3A_134 = arith.constant 8 : i32
        %mul3A_135 = arith.muli %add3A_133, %mul3A_134 : i32
        %add3A_136 = arith.addi %mul3A_2, %mul3A_135 : i32
        %dma_start3A_137 = arith.constant 0 : i32
        %dma_start3A_138 = arith.constant 0 : i32
        %dma_start3A_139 = tpu.memref_slice %arg2[%dma_start3A_137, %add3A_136, %dma_start3A_138] : memref<4x8192x1024xf32, #tpu.memory_space<hbm>> -> memref<4x8x1024xf32, #tpu.memory_space<hbm>>
        %dma_start3A_140 = arith.constant 0 : i32
        %dma_start3A_141 = arith.constant 0 : i32
        %dma_start3A_142 = tpu.memref_slice %arg2[%dma_start3A_140, %add3A_136, %dma_start3A_141] : memref<4x8192x1024xf32, #tpu.memory_space<hbm>> -> memref<4x8x1024xf32, #tpu.memory_space<hbm>>
        tpu.enqueue_dma source(%dma_start3A_142 : memref<4x8x1024xf32, #tpu.memory_space<hbm>>) target(%arg6 : memref<4x8x1024xf32, #tpu.memory_space<vmem>>) target_semaphore(%arg10 : memref<!tpu.dma_semaphore, #tpu.memory_space<semaphore_mem>>)
      } else {
      }
    }
    %scan3A_34 = arith.constant 16 : i32
    return
  }
}

</mosaic_0001>

<sc_bundles>
// kernel: kernel.3.cloned.1.call-start
scs
__scs_entry_jumppad:
0x0: {  	(pc) =	sbr.rel $0x88, $3  }
0x1: {  	(tag) =	ssettag $0x0;
	lr =	simm.s32 $0x1  }
0x2: {  	[smem:$0x3F9F] =	sst lr;
	_ =	strace $0xD0000000  }
0x3: {  	_ = 	snop  }
0x4: {  	_ = 	snop  }
0x5: {  	_ = 	snop  }
0x6: {  	_ = 	snop  }
0x7: {  	_ = 	snop  }
__scs_overlays_trampoline_lowered:
0x8: {  	[smem:$0x3FAE] =	sst s0  }
0x9: {  	[smem:$0x3FAF] =	sst s1  }
0xa: {  	[smem:$0x3FB0] =	sst s2  }
0xb: {  	[smem:$0x3FB1] =	sst s3  }
0xc: {  	[smem:$0x3FB2] =	sst s4  }
0xd: {  	[smem:$0x3FB3] =	sst s5  }
0xe: {  	[smem:$0x3FB4] =	sst s6  }
0xf: {  	[smem:$0x3FB5] =	sst s7  }
0x10: {  	[smem:$0x3FB6] =	sst s8  }
0x11: {  	[smem:$0x3FB7] =	sst s9;
	s0 =	simm.s32 @!p0 $0x0  }
0x12: {  	s1 =	sld [smem:$0x3F9D];
	s0 =	simm.s32 @p0 $0x1  }
0x13: {  	[smem:$0x3FB8] =	sst s0;
	s0 =	simm.s32 @!p1 $0x0  }
0x14: {  	s2 =	sld [smem:$0x3F9C];
	s0 =	simm.s32 @p1 $0x1  }
0x15: {  	[smem:$0x3FB9] =	sst s0;
	s0 =	simm.s32 @!p2 $0x0  }
0x16: {  	s3 =	sld [smem:$0x3FDB];
	s0 =	simm.s32 @p2 $0x1  }
0x17: {  	s4 =	simm.s32 $0x1BF5;
	[smem:$0x3FBB] =	sst s0  }
0x18: {  	s0 =	sld [smem:$0x3F9E];
	_ =	swait.ge [sflag:s4], $0x0  }
0x19: {  	s7 =	sld [smem:$0x3F9F]  }
0x1a: {  	s8 =	sadd.s32 $0xFFFFE003, lr  }
0x1b: {  	s9 =	sadd.s32 $0xFFFFFEF7, lr;
	s5 =	simm.s32 $0xFFFFFFFF;
	p2 =	slt.u32 s8, $0xFFFFF086  }
0x1c: {  	p1 =	slt.u32 s9, $0xF7A;
	s5 =	simm.s32 @!p2 $0x0  }
0x1d: {  	s5 =	simm.s32 @p1 $0x1;
	p0 =	seq.s32 s7, s2  }
0x1e: {  	s7 =	smul.u32 @!p0 $0xF7A, s2;
	p2 =	seq.s32 @!p0 s5, $0x0  }
0x1f: {  	s9 =	smul.u32 $0xF7A, s1;
	s8 =	simm.s32 @!p0 $0x1BF5;
	p2 =	por !p2, p0  }
0x20: {  	[sflag:s8] =	ssyncset.s32 @!p0 $0xFFFFF086;
	s6 =	sadd.s32 @!p0 s3, s7;
	s7 =	simm.s32 @!p0 $0x108  }
0x21: {  	s3 =	sadd.s32 s3, s9;
	s6 =	sadd.s32 @!p0 $0x88, s6;
	s7 =	simm.s32 @p2 $0x1082  }
0x22: {  	[simem:s7], [sflag:s8] =	dma.local @!p0 [hbm:s6], $0xF7A  }
0x23: {  	s9 =	sor.u32 $0xD0000000, s2;
	s6 =	simm.s32 $0x108;
	_ =	swait.ge @!p0 [sflag:s8], $0x0  }
0x24: {  	s3 =	sadd.s32 $0x88, s3;
	s6 =	simm.s32 @!p1 $0x1082;
	[sflag:s4] =	ssyncset.s32 $0xFFFFF086  }
0x25: {  	[simem:s6], [sflag:s4] =	dma.local [hbm:s3], $0xF7A  }
0x26: {  	[smem:$0x3F9F] =	sst s1;
	(tag) =	ssettag s2;
	_ =	strace s9  }
0x27: {  	s1 =	sld [smem:$0x3FAF]  }
0x28: {  	s2 =	sld [smem:$0x3FB0]  }
0x29: {  	s4 =	sld [smem:$0x3FB2]  }
0x2a: {  	p0 =	seq.s32 s5, $0x0;
	s5 =	sld [smem:$0x3FB3]  }
0x2b: {  	s6 =	sld [smem:$0x3FB4]  }
0x2c: {  	s7 =	sld [smem:$0x3FB5]  }
0x2d: {  	s3 =	simm.s32 $0x108;
	s8 =	sld [smem:$0x3FB6]  }
0x2e: {  	s3 =	simm.s32 @!p0 $0x1082;
	s9 =	sld [smem:$0x3FB7]  }
0x2f: {  	lr =	sadd.s32 s0, s3;
	s0 =	sld [smem:$0x3FAE]  }
0x30: {  	s3 =	sld [smem:$0x3FB1]  }
0x31: {  	[smem:$0x3FBA] =	sst s10  }
0x32: {  	s10 =	sld [smem:$0x3FB8];
	_ =	sdelay $0x3  }
0x33: {  	p0 =	seq.s32 s10, $0x1;
	s10 =	sld [smem:$0x3FBA];
	_ =	sdelay $0x3  }
0x34: {  	[smem:$0x3FBA] =	sst s10  }
0x35: {  	s10 =	sld [smem:$0x3FB9];
	_ =	sdelay $0x3  }
0x36: {  	p1 =	seq.s32 s10, $0x1;
	s10 =	sld [smem:$0x3FBA];
	_ =	sdelay $0x3  }
0x37: {  	[smem:$0x3FBA] =	sst s10  }
0x38: {  	s10 =	sld [smem:$0x3FBB]  }
0x39: {  	_ = 	snop;
	(pc) =	sbr.ind lr, $3  }
0x3a: {  	_ = 	snop  }
0x3b: {  	_ = 	snop  }
0x3c: {  	p2 =	seq.s32 s10, $0x1;
	s10 =	sld [smem:$0x3FBA]  }
0x3d: {  	_ =	shalt  }
0x3e: {  	_ =	shalt  }
0x3f: {  	_ =	shalt  }
0x40: {  	_ =	shalt  }
0x41: {  	_ =	shalt  }
0x42: {  	_ =	shalt  }
0x43: {  	_ =	shalt  }
0x44: {  	_ =	shalt  }
0x45: {  	_ =	shalt  }
0x46: {  	_ =	shalt  }
0x47: {  	_ =	shalt  }
0x48: {  	_ =	shalt  }
0x49: {  	_ =	shalt  }
0x4a: {  	_ =	shalt  }
0x4b: {  	_ =	shalt  }
0x4c: {  	_ =	shalt  }
0x4d: {  	_ =	shalt  }
0x4e: {  	_ =	shalt  }
0x4f: {  	_ =	shalt  }
0x50: {  	_ =	shalt  }
0x51: {  	_ =	shalt  }
0x52: {  	_ =	shalt  }
0x53: {  	_ =	shalt  }
0x54: {  	_ =	shalt  }
0x55: {  	_ =	shalt  }
0x56: {  	_ =	shalt  }
0x57: {  	_ =	shalt  }
0x58: {  	_ =	shalt  }
0x59: {  	_ =	shalt  }
0x5a: {  	_ =	shalt  }
0x5b: {  	_ =	shalt  }
0x5c: {  	_ =	shalt  }
0x5d: {  	_ =	shalt  }
0x5e: {  	_ =	shalt  }
0x5f: {  	_ =	shalt  }
0x60: {  	_ =	shalt  }
0x61: {  	_ =	shalt  }
0x62: {  	_ =	shalt  }
0x63: {  	_ =	shalt  }
0x64: {  	_ =	shalt  }
0x65: {  	_ =	shalt  }
0x66: {  	_ =	shalt  }
0x67: {  	_ =	shalt  }
0x68: {  	_ =	shalt  }
0x69: {  	_ =	shalt  }
0x6a: {  	_ =	shalt  }
0x6b: {  	_ =	shalt  }
0x6c: {  	_ =	shalt  }
0x6d: {  	_ =	shalt  }
0x6e: {  	_ =	shalt  }
0x6f: {  	_ =	shalt  }
0x70: {  	_ =	shalt  }
0x71: {  	_ =	shalt  }
0x72: {  	_ =	shalt  }
0x73: {  	_ =	shalt  }
0x74: {  	_ =	shalt  }
0x75: {  	_ =	shalt  }
0x76: {  	_ =	shalt  }
0x77: {  	_ =	shalt  }
0x78: {  	_ =	shalt  }
0x79: {  	_ =	shalt  }
0x7a: {  	_ =	shalt  }
0x7b: {  	_ =	shalt  }
0x7c: {  	_ =	shalt  }
0x7d: {  	_ =	shalt  }
0x7e: {  	_ =	shalt  }
0x7f: {  	_ =	shalt  }
0x80: {  	_ =	shalt  }
0x81: {  	_ =	shalt  }
0x82: {  	_ =	shalt  }
0x83: {  	_ =	shalt  }
0x84: {  	_ =	shalt  }
0x85: {  	_ =	shalt  }
0x86: {  	_ =	shalt  }
0x87: {  	_ =	shalt  }
.Lfunc_end0:
.L_simem_size_0:
called_computation_lowered:
.L_overlay_start_0:
0x88: {  	s2 =	sld [smem:$0x3FD9]  }
0x89: {  	s3 =	sld [smem:$0x3FFE];
	_ =	sdelay $0x1  }
0x8a: {  	s1 =	srdreg.scid  }
0x8b: {  	s0 =	sand.u32 $0x1, s1  }
0x8c: {  	s18 =	sshll.u32 s0, $0xA;
	s2 =	sadd.s32 s3, s2  }
0x8d: {  	s2 =	sadd.s32 s2, s18  }
0x8e: {  	[smem:$0x3FC6] =	sst s2  }
0x8f: {  	_ = 	snop  }
0x90: {  	s2 =	sld [smem:$0x3FC9]  }
0x91: {  	s19 =	sld [smem:$0x3FC8]  }
0x92: {  	s4 =	sld [smem:$0x3FD0];
	(tm) =	ssettm $0x1  }
0x93: {  	s5 =	sld [smem:$0x3FFB];
	_ =	sdelay $0x3  }
0x94: {  	_ =	strace s5  }
0x95: {  	s5 =	sld [smem:$0x3FFC];
	_ =	sdelay $0x3  }
0x96: {  	_ =	strace s5  }
0x97: {  	s5 =	sld [smem:$0x3FFD];
	_ =	sdelay $0x3  }
0x98: {  	_ =	strace s5  }
0x99: {  	_ =	strace $0x8FFFFFFF  }
0x9a: {  	s20 =	sld [smem:$0x3FDB];
	_ =	sdelay $0x1  }
0x9b: {  	s6 =	simm.s32 $_scs_section_size  }
0x9c: {  	s7 =	simm.s32 $_size__tile_overlayer_lowered;
	s8 =	simm.s32 $_tile_overlayer_lowered  }
0x9d: {  	s23 =	simm.s32 $0x1BFF;
	s22 =	sshll.u32 s8, $0x1;
	s5 =	sadd.s32 s6, s20  }
0x9e: {  	s9 =	simm.s32 $0x0;
	s21 =	sshll.u32 s7, $0x1;
	s7 =	sadd.s32 s22, s5  }
0x9f: {  	[timem:s9], [sflag:s23] =	dma.local [hbm:s7], s21  }
0xa0: {  	_ =	swait.ge [sflag:s23], s21  }
0xa1: {  	s6 =	ssub.s32 $0x0, s21;
	[sflag:s23] =	ssyncset.done $0x0  }
0xa2: {  	[sflag:s23] =	ssyncadd.s32 s6;
	_ =	sdelay $0x1  }
0xa3: {  	s24 =	simm.s32 $0x1B8B  }
0xa4: {  	_ =	swait.ge [sflag:s24], $0x1  }
0xa5: {  	[sflag:s24] =	ssyncset.done $0x0  }
0xa6: {  	s25 =	simm.s32 $0x1B8E;
	[sflag:s24] =	ssyncadd.s32 $0xFFFFFFFF  }
0xa7: {  	s26 =	simm.s32 $execute0_lowered;
	[smem:$0x3FD2] =	sst s25  }
0xa8: {  	s6 =	sshll.u32 s26, $0x1;
	_ =	strace $0x80000046;
	[dreg:$0x1] =	wrdreg $0xFFFFFFFF  }
0xa9: {  	s28 =	simm.s32 $_size_execute0_lowered;
	s5 =	sadd.s32 s5, s6;
	[dreg:$0x0] =	wrdreg $0x0  }
0xaa: {  	s6 =	sshll.u32 s28, $0x1;
	[dreg:$0x2] =	wrdreg s5  }
0xab: {  	[dreg:$0x3] =	wrdreg s6  }
0xac: {  	[dreg:$0x4] =	wrdreg $0xC0  }
0xad: {  	_ =	task [dreg:s9], $0x5FFFF  }
0xae: {  	[dreg:$0x1] =	wrdreg $0xFFFFFFFF  }
0xaf: {  	[dreg:$0x0] =	wrdreg $0x60  }
0xb0: {  	[dreg:$0x2] =	wrdreg s2  }
0xb1: {  	[dreg:$0x3] =	wrdreg s19  }
0xb2: {  	[dreg:$0x4] =	wrdreg s4  }
0xb3: {  	[dreg:$0x5] =	wrdreg $0x9  }
0xb4: {  	_ =	task.clear_ibuf [dreg:s9], $0x6FFFF;
	_ =	strace $0x90000046  }
0xb5: {  	s29 =	simm.s32 $0x9;
	_ =	strace $0x80000048  }
0xb6: {  	_ =	swait.ge [sflag:s29], $0x1  }
0xb7: {  	[sflag:s29] =	ssyncadd.s32 $0xFFFFFFFF  }
0xb8: {  	_ =	strace $0x90000048  }
0xb9: {  	_ =	sfence  }
0xba: {  	s30 =	sld [smem:$0x0];
	_ =	sdelay $0x2  }
0xbb: {  	s31 =	sshll.u32 s1, $0xD;
	s1 =	sshrl.u32 s1, $0x2  }
0xbc: {  	s3 =	sand.u32 $0x4000, s31;
	s1 =	sadd.s32 s1, s30  }
0xbd: {  	s0 =	sor.u32 s3, s0;
	s1 =	sshll.u32 s1, $0x11  }
0xbe: {  	s0 =	sor.u32 s1, s0  }
0xbf: {  	s0 =	sadd.s32 $0x8F2B, s0  }
0xc0: {  	[sflag:s0] =	ssyncadd.remote.s32 $0x1  }
0xc1: {  	_ =	sfence.sel $0xFFFF  }
0xc2: {  	[dreg:$0x0] =	wrdreg $0xFFFFFFFF;
	(pc) =	sbr.abs _section_cstart, $3  }
0xc3: {  	[dreg:$0x1] =	wrdreg $0xFFFFFFFF  }
0xc4: {  	_ =	task.clear_ibuf [dreg:s9], $0x2FFFF;
	_ =	strace $0x9FFFFFFF  }
0xc5: {  	(tm) =	ssettm $0x7FFFFFFF  }
tec
execute0_lowered:
.L_overlay_start_1:
0x0: {  	(tag) =	ssettag $0x1  }
0x1: {  	s11 =	rddreg [dreg:$0x0]  }
0x2: {  	s12 =	rddreg [dreg:$0x1]  }
0x3: {  	s8 =	rddreg [dreg:$0x2]  }
0x4: {  	s0 =	rddreg [dreg:$0x3];
	s3 =	srdreg.scid;
	s2 =	simm.s32 $0x0  }
0x5: {  	s1 =	stileid.u32;
	s14 =	simm.s32 $0x12000;
	s15 =	simm.s32 $0x2000  }
0x6: {  	s16 =	simm.s32 $0x800000;
	s17 =	simm.s32 $0x8000;
	s18 =	simm.s32 $0x3  }
0x7: {  	s19 =	simm.s32 $0x1;
	s20 =	simm.s32 $0x4;
	s21 =	simm.s32 $0x2  }
0x8: {  	s22 =	simm.s32 $0x5;
	s23 =	simm.s32 $0x6;
	s24 =	simm.s32 $0x0  }
0x9: {  	s3 =	sand.u32 $0x1, s3;
	s9 =	sshll.u32 s1, $0x10;
	[smem:$0x7FF] =	sst s2  }
0xa: {  	s4 =	ssub.s32 $0x2, s3;
	s10 =	sshll.u32 s3, $0xF;
	_ =	strace $0x80000047  }
0xb: {  	s8 =	sadd.s32 s9, s8;
	s31 =	sshrl.u32 s4, $0x1;
	s13 =	sor.u32 s10, s9  }
.Ltmp0:
0xc: {  	s8 =	sadd.s32 s10, s8;
	s7 =	ssub.s32 s4, s31;
	(pc) =	sbr.rel .LBB2_1-.Ltmp0, $4  }
0xd: {  	s6 =	sor.u32 $0x400, s13;
	s3 =	sadd.s32 s13, s12;
	s5 =	sadd.s32 s13, s11  }
0xe: {  	s13 =	sor.u32 $0x800, s13;
	s4 =	sadd.s32 s12, s6;
	s6 =	sadd.s32 s11, s6  }
0xf: {  	s7 =	smax.u32 s7, $0x1;
	s9 =	sadd.s32 $0xC00, s5;
	s10 =	sadd.s32 $0xC00, s3  }
0x10: {  	s11 =	sadd.s32 s13, s11;
	s12 =	sadd.s32 s13, s12;
	s13 =	simm.s32 $0x10000  }
.LBB2_4:
0x11: {  	s24 =	sadd.s32 $0x1, s24  }
0x12: {  	_ =	swait.ge [sflag:s22], $0x8000;
	p0 =	sne.s32 s24, s7  }
.Ltmp1:
0x13: {  	[sflag:s22] =	ssyncset.done $0x0;
	(pc) =	sbr.rel @!p0 .LBB2_5-.Ltmp1, $4  }
0x14: {  	[sflag:s22] =	ssyncadd.s32 $0xFFFF8000  }
0x15: {  	_ =	swait.ge [sflag:s23], $0x8000  }
0x16: {  	[sflag:s23] =	ssyncset.done $0x0  }
0x17: {  	[sflag:s23] =	ssyncadd.s32 $0xFFFF8000  }
.LBB2_1:
0x18: {  	[tilespmem:s13], [sflag:$0x3] =	stream.linear.gather [hbm4b:s3+s2], $0x2000, $0x38;
	[tilespmem:$0x14000] =	vst v63  }
0x19: {  	_ = 	snop  }
0x1a: {  	[tilespmem:s14], [sflag:$0x4] =	stream.linear.gather [hbm4b:s4+s2], $0x2000, $0x38;
	[tilespmem:$0x14000] =	vst v63  }
0x1b: {  	_ = 	snop  }
0x1c: {  	[tilespmem:s2], [sflag:$0x1] =	stream.strided.gather [hbm4b:s5+s15], $0x8000, s16, s15, $0x38;
	[tilespmem:$0x14000] =	vst v63  }
0x1d: {  	s25 =	simm.s32 $0x0  }
0x1e: {  	[tilespmem:s17], [sflag:$0x2] =	stream.strided.gather [hbm4b:s6+s15], $0x8000, s16, s15, $0x38;
	[tilespmem:$0x14000] =	vst v63  }
.LBB2_2:
0x1f: {  	_ =	swait.ge [sflag:s18], $0x2000  }
0x20: {  	[sflag:s18] =	ssyncset.done $0x0  }
0x21: {  	[sflag:s18] =	ssyncadd.s32 $0xFFFFE000  }
0x22: {  	_ =	swait.ge [sflag:s19], $0x8000  }
0x23: {  	[sflag:s19] =	ssyncset.done $0x0  }
0x24: {  	s26 =	sadd.s32 s25, s8;
	p0 =	seq.s32 s25, $0x7800;
	[sflag:s19] =	ssyncadd.s32 $0xFFFF8000  }
0x25: {  	[hbm4b:s26+s15] =	stream.strided.scatter [tilespmem:s2], [sflag:$0x5], $0x8000, s16, s15, $0x38;
	[tilespmem:$0x14000] =	vst v63  }
0x26: {  	s28 =	sadd.s32 @!p0 s25, s12;
	s29 =	simm.s32 @!p0 $0x0;
	s30 =	simm.s32 @!p0 $0x10000  }
0x27: {  	[tilespmem:s30], [sflag:$0x3] =	stream.linear.gather @!p0 [hbm4b:s28+s29], $0x2000, $0x38;
	[tilespmem:$0x14000] =	vst v63  }
0x28: {  	_ =	swait.ge [sflag:s20], $0x2000  }
0x29: {  	[sflag:s20] =	ssyncset.done $0x0  }
.Ltmp2:
0x2a: {  	[sflag:s20] =	ssyncadd.s32 $0xFFFFE000;
	(pc) =	sbr.rel @p0 .LBB2_4-.Ltmp2, $4  }
0x2b: {  	_ =	swait.ge [sflag:s21], $0x8000  }
0x2c: {  	[sflag:s21] =	ssyncset.done $0x0  }
0x2d: {  	s26 =	sadd.s32 $0x400, s26;
	[sflag:s21] =	ssyncadd.s32 $0xFFFF8000  }
0x2e: {  	[hbm4b:s26+s15] =	stream.strided.scatter [tilespmem:s17], [sflag:$0x6], $0x8000, s16, s15, $0x38;
	[tilespmem:$0x14000] =	vst v63  }
0x2f: {  	s26 =	sadd.s32 s25, s10  }
0x30: {  	[tilespmem:s14], [sflag:$0x4] =	stream.linear.gather [hbm4b:s26+s2], $0x2000, $0x38;
	[tilespmem:$0x14000] =	vst v63  }
0x31: {  	_ =	swait.ge [sflag:s22], $0x8000  }
0x32: {  	[sflag:s22] =	ssyncset.done $0x0  }
0x33: {  	s30 =	sadd.s32 s25, s11;
	[sflag:s22] =	ssyncadd.s32 $0xFFFF8000  }
0x34: {  	[tilespmem:s2], [sflag:$0x1] =	stream.strided.gather [hbm4b:s30+s15], $0x8000, s16, s15, $0x38;
	[tilespmem:$0x14000] =	vst v63  }
.Ltmp3:
0x35: {  	_ = 	snop;
	(pc) =	sbr.rel .LBB2_2-.Ltmp3, $4  }
0x36: {  	_ =	swait.ge [sflag:s23], $0x8000  }
0x37: {  	[sflag:s23] =	ssyncset.done $0x0  }
0x38: {  	s31 =	sadd.s32 s25, s9;
	s25 =	sadd.s32 $0x800, s25;
	[sflag:s23] =	ssyncadd.s32 $0xFFFF8000  }
0x39: {  	[tilespmem:s17], [sflag:$0x2] =	stream.strided.gather [hbm4b:s31+s15], $0x8000, s16, s15, $0x38;
	[tilespmem:$0x14000] =	vst v63  }
.LBB2_5:
0x3a: {  	_ =	sfence.sel $0x180000  }
0x3b: {  	[bflag:$0x0] =	sbarrier.arrive $0xFFFF  }
0x3c: {  	p0 =	sne.s32 s1, $0x0;
	_ =	strace $0x90000047  }
0x3d: {  	s0 =	sadd.s32 @!p0 $0x100000, s0;
	[bflag:$0x2] =	sbarrier.arrive $0xFFFF  }
0x3e: {  	[sflag:s0] =	ssyncadd.tile.s32 @!p0 $0x1;
	_ =	shalt  }
.Lfunc_end2:
_tile_overlayer_lowered:
.L_overlay_start_2:
0x3f: {  	(tag) =	ssettag $0x2  }
0x40: {  	s0 =	rddreg [dreg:$0x0];
	s2 =	stileid.u32  }
0x41: {  	s1 =	rddreg [dreg:$0x1];
	p0 =	sne.s32 s2, $0x0  }
0x42: {  	s3 =	rddreg [dreg:$0x2];
	[bflag:$0x3] =	sbarrier.arrive $0xFFFF;
	s2 =	simm.s32 @!p0 $0x1C07  }
0x43: {  	[timem:s3], [sflag:s2] =	dma.local @!p0 [hbm:s0], s1  }
0x44: {  	s0 =	simm.s32 @!p0 $0x7  }
0x45: {  	_ =	swait.ge @!p0 [sflag:s0], s1  }
0x46: {  	s1 =	ssub.s32 @!p0 $0x0, s1;
	[sflag:s0] =	ssyncset.done @!p0 $0x0  }
0x47: {  	[sflag:s0] =	ssyncadd.s32 @!p0 s1  }
0x48: {  	[bflag:$0x3] =	sbarrier.arrive $0xFFFF  }
0x49: {  	_ =	shalt  }

</sc_bundles>
